<compile_context>
chip_gen: v7x
topology: tpu7x:2x2x1
jax: 0.10.2.dev20260603
libtpu: 0.0.44.dev20260713+nightly
codegen_flags: <defaults>
</compile_context>

<pallas_src>
import jax
import jax.numpy as jnp
from jax.experimental import pallas as pl

_B, _M, _C = 4096, 50, 50
_N = _B * _M
_BN = 2048
_OUT = 312

_SM = {'hand_range': (0, 8), 'board_range': (8, 18), 'street': 18,
       'num_players': 19, 'hero_position': 20, 'hero_active': 21,
       'vil1_active': 22, 'vil2_active': 23, 'vil3_active': 24,
       'vil4_active': 25, 'vil5_active': 26, 'vil1_position': 27,
       'vil2_position': 28, 'vil3_position': 29, 'vil4_position': 30,
       'vil5_position': 31, 'last_agro_action': 32, 'last_agro_position': 33,
       'last_agro_is_blind': 34, 'previous_position': 35,
       'previous_action': 36, 'previous_bet_is_blind': 37, 'next_player': 38,
       'last_agro_amount': 39, 'pot': 40, 'amount_to_call': 41,
       'pot_odds': 42, 'previous_amount': 43, 'hero_stack': 44,
       'vil1_stack': 45, 'vil2_stack': 46, 'vil3_stack': 47,
       'vil4_stack': 48, 'vil5_stack': 49}

_PARTS = [
    ('e', 'street_emb', 'street'),
    ('e', 'pos_emb', 'hero_position'),
    ('e', 'active_emb', 'vil1_active'),
    ('e', 'active_emb', 'vil2_active'),
    ('e', 'active_emb', 'vil3_active'),
    ('e', 'active_emb', 'vil4_active'),
    ('e', 'active_emb', 'vil5_active'),
    ('e', 'pos_emb', 'vil1_position'),
    ('e', 'pos_emb', 'vil2_position'),
    ('e', 'pos_emb', 'vil3_position'),
    ('e', 'pos_emb', 'vil4_position'),
    ('e', 'pos_emb', 'vil5_position'),
    ('l', 'pot', 'pot'),
    ('l', 'atc', 'amount_to_call'),
    ('l', 'po', 'pot_odds'),
    ('l', 'pa', 'previous_amount'),
    ('e', 'pos_emb', 'previous_position'),
    ('e', 'act_emb', 'previous_action'),
    ('e', 'blind_emb', 'previous_bet_is_blind'),
    ('l', 'laa', 'last_agro_amount'),
    ('e', 'act_emb', 'last_agro_action'),
    ('e', 'pos_emb', 'last_agro_position'),
    ('e', 'blind_emb', 'last_agro_is_blind'),
    ('e', 'nump_emb', 'num_players'),
    ('e', 'pos_emb', 'next_player'),
    ('l', 'stk', 'hero_stack'),
    ('l', 'stk', 'vil1_stack'),
    ('l', 'stk', 'vil2_stack'),
    ('l', 'stk', 'vil3_stack'),
    ('l', 'stk', 'vil4_stack'),
    ('l', 'stk', 'vil5_stack'),
]


def _fold_weights(params):
    f32 = jnp.float32
    suit1 = params['suit_emb'][1].astype(f32)
    rank1 = params['rank_emb'][1].astype(f32)

    e_h = jnp.zeros((8, 64), f32)
    for k in range(4):
        e_h = e_h.at[2 * k, 16 * k + 8:16 * k + 16].set(rank1)
        e_h = e_h.at[2 * k + 1, 16 * k:16 * k + 8].set(suit1)
    e_b = jnp.zeros((10, 80), f32)
    for k in range(5):
        e_b = e_b.at[2 * k, 16 * k + 8:16 * k + 16].set(rank1)
        e_b = e_b.at[2 * k + 1, 16 * k:16 * k + 8].set(suit1)

    a_h = jnp.zeros((_C, 64), f32).at[0:8].set(e_h @ params['ph_w1'].T)
    a_b = jnp.zeros((_C, 80), f32).at[8:18].set(e_b @ params['pb_w1'].T)

    w_state = jnp.zeros((_C, 248), f32)
    b_small = jnp.zeros((248,), f32)
    for p, (kind, name, col) in enumerate(_PARTS):
        c = _SM[col]
        if kind == 'e':
            vec = params[name][1].astype(f32)
        else:
            vec = params[name + '_w'][:, 0].astype(f32)
            b_small = b_small.at[8 * p:8 * p + 8].set(params[name + '_b'])
        w_state = w_state.at[c, 8 * p:8 * p + 8].set(vec)

    def row(b):
        return b.astype(f32).reshape(1, -1)

    return dict(
        a_h=a_h, b1h=row(params['ph_b1']),
        w2h=params['ph_w2'].T, b2h=row(params['ph_b2']),
        w3h=params['ph_w3'].T, b3h=row(params['ph_b3']),
        a_b=a_b, b1b=row(params['pb_b1']),
        w2b=params['pb_w2'].T, b2b=row(params['pb_b2']),
        w3b=params['pb_w3'].T, b3b=row(params['pb_b3']),
        q1h=params['phb_w1'].T[0:64], q1b=params['phb_w1'].T[64:144],
        bq1=row(params['phb_b1']),
        q2=params['phb_w2'].T, bq2=row(params['phb_b2']),
        q3=params['phb_w3'].T, bq3=row(params['phb_b3']),
        ws=w_state, bs=row(b_small),
    )


def _dot(a, b):
    return jax.lax.dot_general(a, b, (((1,), (0,)), ((), ())),
                               preferred_element_type=jnp.float32)


def _lrelu(z):
    return jnp.maximum(z, 0.01 * z)


def _kern(x_ref, a_h, b1h, w2h, b2h, w3h, b3h,
          a_b, b1b, w2b, b2b, w3b, b3b,
          q1h, q1b, bq1, q2, bq2, q3, bq3, ws, bs, o_ref):
    x = x_ref[...]
    h = _lrelu(_dot(x, a_h[...]) + b1h[...])
    h = _lrelu(_dot(h, w2h[...]) + b2h[...])
    h = _dot(h, w3h[...]) + b3h[...]
    g = _lrelu(_dot(x, a_b[...]) + b1b[...])
    g = _lrelu(_dot(g, w2b[...]) + b2b[...])
    g = _dot(g, w3b[...]) + b3b[...]
    hb = _lrelu(_dot(h, q1h[...]) + _dot(g, q1b[...]) + bq1[...])
    hb = _lrelu(_dot(hb, q2[...]) + bq2[...])
    hb = _dot(hb, q3[...]) + bq3[...]
    small = _dot(x, ws[...]) + bs[...]
    o_ref[...] = jnp.concatenate([hb, small], axis=1)


def kernel(state, params):
    w = _fold_weights(params)
    x = state.reshape(_N, _C)
    order = ['a_h', 'b1h', 'w2h', 'b2h', 'w3h', 'b3h',
             'a_b', 'b1b', 'w2b', 'b2b', 'w3b', 'b3b',
             'q1h', 'q1b', 'bq1', 'q2', 'bq2', 'q3', 'bq3', 'ws', 'bs']
    wargs = [w[k] for k in order]
    wspecs = [pl.BlockSpec(w[k].shape, lambda i: (0, 0)) for k in order]
    out = pl.pallas_call(
        _kern,
        grid=(_N // _BN,),
        in_specs=[pl.BlockSpec((_BN, _C), lambda i: (i, 0))] + wspecs,
        out_specs=pl.BlockSpec((_BN, _OUT), lambda i: (i, 0)),
        out_shape=jax.ShapeDtypeStruct((_N, _OUT), jnp.float32),
    )(x, *wargs)
    return out.reshape(_B, _M, _OUT)

# --- scband reference (transcript-rebuilt; emitter-appended) ---
"""Pipeline reference for scband-pre-process-31834297598893 (READ-ONLY COPY).

The authoritative reference and input builder live on the scoring server;
editing this copy changes nothing except your own understanding.
"""

import jax, jax.numpy as jnp
import numpy as np

B, M, C = 4096, 50, 50

state_mapping = {'hand_range': (0, 8), 'board_range': (8, 18), 'street': 18, 'num_players': 19, 'hero_position': 20, 'hero_active': 21, 'vil1_active': 22, 'vil2_active': 23, 'vil3_active': 24, 'vil4_active': 25, 'vil5_active': 26, 'vil1_position': 27, 'vil2_position': 28, 'vil3_position': 29, 'vil4_position': 30, 'vil5_position': 31, 'last_agro_action': 32, 'last_agro_position': 33, 'last_agro_is_blind': 34, 'previous_position': 35, 'previous_action': 36, 'previous_bet_is_blind': 37, 'next_player': 38, 'last_agro_amount': 39, 'pot': 40, 'amount_to_call': 41, 'pot_odds': 42, 'previous_amount': 43, 'hero_stack': 44, 'vil1_stack': 45, 'vil2_stack': 46, 'vil3_stack': 47, 'vil4_stack': 48, 'vil5_stack': 49}


def _emb(table, idx):
    # nn.Embedding with padding_idx=0: row 0 is zero (and receives no grad)
    mask = (jnp.arange(table.shape[0]) != 0).astype(table.dtype)[:, None]
    return jnp.take(table * mask, idx, axis=0)


def _lin(x, w, b):
    return x @ w.T + b


def _mlp3(x, p, pre):
    x = jax.nn.leaky_relu(_lin(x, p[pre + '_w1'], p[pre + '_b1']), 0.01)
    x = jax.nn.leaky_relu(_lin(x, p[pre + '_w2'], p[pre + '_b2']), 0.01)
    return _lin(x, p[pre + '_w3'], p[pre + '_b3'])


def _forward(state, params):
    sm = state_mapping
    Bd, Md = state.shape[0], state.shape[1]
    idxs = jax.lax.stop_gradient(state).astype(jnp.int32)
    hand = idxs[:, :, sm['hand_range'][0]:sm['hand_range'][1]]
    board = idxs[:, :, sm['board_range'][0]:sm['board_range'][1]]
    hs = _emb(params['suit_emb'], hand[:, :, 1::2])
    hr = _emb(params['rank_emb'], hand[:, :, 0::2])
    bs = _emb(params['suit_emb'], board[:, :, 1::2])
    br = _emb(params['rank_emb'], board[:, :, 0::2])
    hand_e = jnp.concatenate([hs, hr], axis=-1).reshape(Bd, Md, 64)
    board_e = jnp.concatenate([bs, br], axis=-1).reshape(Bd, Md, 80)
    hand_e = _mlp3(hand_e, params, 'ph')
    board_e = _mlp3(board_e, params, 'pb')
    hand_board = _mlp3(jnp.concatenate([hand_e, board_e], axis=-1), params, 'phb')

    def e(tab, col):
        return _emb(params[tab], idxs[:, :, sm[col]])

    def l(pre, col):
        v = state[:, :, sm[col]][..., None]
        return _lin(v, params[pre + '_w'], params[pre + '_b'])

    parts = [hand_board,
             e('street_emb', 'street'),
             e('pos_emb', 'hero_position'),
             e('active_emb', 'vil1_active'),
             e('active_emb', 'vil2_active'),
             e('active_emb', 'vil3_active'),
             e('active_emb', 'vil4_active'),
             e('active_emb', 'vil5_active'),
             e('pos_emb', 'vil1_position'),
             e('pos_emb', 'vil2_position'),
             e('pos_emb', 'vil3_position'),
             e('pos_emb', 'vil4_position'),
             e('pos_emb', 'vil5_position'),
             l('pot', 'pot'),
             l('atc', 'amount_to_call'),
             l('po', 'pot_odds'),
             l('pa', 'previous_amount'),
             e('pos_emb', 'previous_position'),
             e('act_emb', 'previous_action'),
             e('blind_emb', 'previous_bet_is_blind'),
             l('laa', 'last_agro_amount'),
             e('act_emb', 'last_agro_action'),
             e('pos_emb', 'last_agro_position'),
             e('blind_emb', 'last_agro_is_blind'),
             e('nump_emb', 'num_players'),
             e('pos_emb', 'next_player'),
             l('stk', 'hero_stack'),
             l('stk', 'vil1_stack'),
             l('stk', 'vil2_stack'),
             l('stk', 'vil3_stack'),
             l('stk', 'vil4_stack'),
             l('stk', 'vil5_stack')]
    return jnp.concatenate(parts, axis=-1)


def _init_params(key):
    keys = list(jax.random.split(key, 64))
    it = iter(keys)
    p = {}
    p['suit_emb'] = jax.random.normal(next(it), (5, 8), dtype=jnp.float32) * 0.1
    p['rank_emb'] = jax.random.normal(next(it), (14, 8), dtype=jnp.float32) * 0.1
    for pre, dims in [('ph', (64, 64, 64, 64)), ('pb', (80, 80, 80, 80)), ('phb', (144, 144, 64, 64))]:
        for j in range(3):
            fin, fout = dims[j], dims[j + 1]
            p[pre + '_w%d' % (j + 1)] = jax.random.normal(next(it), (fout, fin), dtype=jnp.float32) * (1.0 / np.sqrt(fin))
            p[pre + '_b%d' % (j + 1)] = jnp.zeros((fout,), dtype=jnp.float32)
    for name, n in [('pos_emb', 7), ('act_emb', 12), ('active_emb', 2), ('street_emb', 5), ('nump_emb', 7), ('blind_emb', 2)]:
        p[name] = jax.random.normal(next(it), (n, 8), dtype=jnp.float32) * 0.1
    for pre in ['pot', 'laa', 'atc', 'po', 'stk', 'pa']:
        p[pre + '_w'] = jax.random.normal(next(it), (8, 1), dtype=jnp.float32) * 0.5
        p[pre + '_b'] = jnp.zeros((8,), dtype=jnp.float32)
    return p


def setup_inputs(seed: int = 0) -> dict:
    key = jax.random.key(seed)
    k1, k2 = jax.random.split(key)
    state = jax.random.randint(k1, (B, M, C), 0, 2).astype(jnp.float32)
    params = _init_params(k2)
    return {'state': state, 'params': params}


def reference(state, params):
    return _forward(state, params)

if __name__ == "__main__":
    import jax
    _d = setup_inputs()
    print(jax.jit(kernel)(*tuple(_d.values())))

</pallas_src>

<mosaic_0001>
module attributes {stable_mosaic.version = 14 : i64} {
  func.func @_kern(%arg0: i32, %arg1: memref<2048x50xf32, #tpu.memory_space<vmem>>, %arg2: memref<50x64xf32, #tpu.memory_space<vmem>>, %arg3: memref<1x64xf32, #tpu.memory_space<vmem>>, %arg4: memref<64x64xf32, #tpu.memory_space<vmem>>, %arg5: memref<1x64xf32, #tpu.memory_space<vmem>>, %arg6: memref<64x64xf32, #tpu.memory_space<vmem>>, %arg7: memref<1x64xf32, #tpu.memory_space<vmem>>, %arg8: memref<50x80xf32, #tpu.memory_space<vmem>>, %arg9: memref<1x80xf32, #tpu.memory_space<vmem>>, %arg10: memref<80x80xf32, #tpu.memory_space<vmem>>, %arg11: memref<1x80xf32, #tpu.memory_space<vmem>>, %arg12: memref<80x80xf32, #tpu.memory_space<vmem>>, %arg13: memref<1x80xf32, #tpu.memory_space<vmem>>, %arg14: memref<64x144xf32, #tpu.memory_space<vmem>>, %arg15: memref<80x144xf32, #tpu.memory_space<vmem>>, %arg16: memref<1x144xf32, #tpu.memory_space<vmem>>, %arg17: memref<144x64xf32, #tpu.memory_space<vmem>>, %arg18: memref<1x64xf32, #tpu.memory_space<vmem>>, %arg19: memref<64x64xf32, #tpu.memory_space<vmem>>, %arg20: memref<1x64xf32, #tpu.memory_space<vmem>>, %arg21: memref<50x248xf32, #tpu.memory_space<vmem>>, %arg22: memref<1x248xf32, #tpu.memory_space<vmem>>, %arg23: memref<2048x312xf32, #tpu.memory_space<vmem>>) attributes {dimension_semantics = [#tpu.dimension_semantics<arbitrary>], iteration_bounds = array<i64: 100>, scalar_prefetch = 0 : i64, scratch_operands = 0 : i64, tpu.core_type = #tpu.core_type<tc>, window_params = [{transform_indices = @transform_0, window_bounds = array<i64: 2048, 50>}, {pipeline_mode = #tpu.pipeline_mode<synchronous>, transform_indices = @transform_1, window_bounds = array<i64: 50, 64>}, {pipeline_mode = #tpu.pipeline_mode<synchronous>, transform_indices = @transform_2, window_bounds = array<i64: 1, 64>}, {pipeline_mode = #tpu.pipeline_mode<synchronous>, transform_indices = @transform_3, window_bounds = array<i64: 64, 64>}, {pipeline_mode = #tpu.pipeline_mode<synchronous>, transform_indices = @transform_4, window_bounds = array<i64: 1, 64>}, {pipeline_mode = #tpu.pipeline_mode<synchronous>, transform_indices = @transform_5, window_bounds = array<i64: 64, 64>}, {pipeline_mode = #tpu.pipeline_mode<synchronous>, transform_indices = @transform_6, window_bounds = array<i64: 1, 64>}, {pipeline_mode = #tpu.pipeline_mode<synchronous>, transform_indices = @transform_7, window_bounds = array<i64: 50, 80>}, {pipeline_mode = #tpu.pipeline_mode<synchronous>, transform_indices = @transform_8, window_bounds = array<i64: 1, 80>}, {pipeline_mode = #tpu.pipeline_mode<synchronous>, transform_indices = @transform_9, window_bounds = array<i64: 80, 80>}, {pipeline_mode = #tpu.pipeline_mode<synchronous>, transform_indices = @transform_10, window_bounds = array<i64: 1, 80>}, {pipeline_mode = #tpu.pipeline_mode<synchronous>, transform_indices = @transform_11, window_bounds = array<i64: 80, 80>}, {pipeline_mode = #tpu.pipeline_mode<synchronous>, transform_indices = @transform_12, window_bounds = array<i64: 1, 80>}, {pipeline_mode = #tpu.pipeline_mode<synchronous>, transform_indices = @transform_13, window_bounds = array<i64: 64, 144>}, {pipeline_mode = #tpu.pipeline_mode<synchronous>, transform_indices = @transform_14, window_bounds = array<i64: 80, 144>}, {pipeline_mode = #tpu.pipeline_mode<synchronous>, transform_indices = @transform_15, window_bounds = array<i64: 1, 144>}, {pipeline_mode = #tpu.pipeline_mode<synchronous>, transform_indices = @transform_16, window_bounds = array<i64: 144, 64>}, {pipeline_mode = #tpu.pipeline_mode<synchronous>, transform_indices = @transform_17, window_bounds = array<i64: 1, 64>}, {pipeline_mode = #tpu.pipeline_mode<synchronous>, transform_indices = @transform_18, window_bounds = array<i64: 64, 64>}, {pipeline_mode = #tpu.pipeline_mode<synchronous>, transform_indices = @transform_19, window_bounds = array<i64: 1, 64>}, {pipeline_mode = #tpu.pipeline_mode<synchronous>, transform_indices = @transform_20, window_bounds = array<i64: 50, 248>}, {pipeline_mode = #tpu.pipeline_mode<synchronous>, transform_indices = @transform_21, window_bounds = array<i64: 1, 248>}, {transform_indices = @transform_22, window_bounds = array<i64: 2048, 312>}]} {
    %get3A = arith.constant 0 : index
    %get3A_0 = arith.constant 0 : index
    %get3A_1 = vector.load %arg1[%get3A, %get3A_0] : memref<2048x50xf32, #tpu.memory_space<vmem>>, vector<2048x50xf32>
    %get3A_2 = arith.constant 0 : index
    %get3A_3 = arith.constant 0 : index
    %get3A_4 = vector.load %arg2[%get3A_2, %get3A_3] : memref<50x64xf32, #tpu.memory_space<vmem>>, vector<50x64xf32>
    %dot_general3A = arith.constant dense<0.000000e+00> : vector<2048x64xf32>
    %dot_general3A_5 = tpu.matmul %get3A_1, %get3A_4, %dot_general3A {dimension_numbers = #tpu.dot_dimension_numbers<[1], [0], [0], [1], [0, 0, 1, 1], [], []>, transpose_lhs_hint = false} : vector<2048x50xf32>, vector<50x64xf32>, vector<2048x64xf32> -> vector<2048x64xf32>
    %get3A_6 = arith.constant 0 : index
    %get3A_7 = arith.constant 0 : index
    %get3A_8 = vector.load %arg3[%get3A_6, %get3A_7] : memref<1x64xf32, #tpu.memory_space<vmem>>, vector<1x64xf32>
    %add3A = vector.broadcast %get3A_8 : vector<1x64xf32> to vector<2048x64xf32>
    %add3A_9 = arith.addf %dot_general3A_5, %add3A : vector<2048x64xf32>
    %mul3A = arith.constant 0.00999999977 : f32
    %mul3A_10 = vector.broadcast %mul3A : f32 to vector<2048x64xf32>
    %mul3A_11 = arith.mulf %mul3A_10, %add3A_9 : vector<2048x64xf32>
    %max3A = arith.maximumf %add3A_9, %mul3A_11 : vector<2048x64xf32>
    %get3A_12 = arith.constant 0 : index
    %get3A_13 = arith.constant 0 : index
    %get3A_14 = vector.load %arg4[%get3A_12, %get3A_13] : memref<64x64xf32, #tpu.memory_space<vmem>>, vector<64x64xf32>
    %dot_general3A_15 = arith.constant dense<0.000000e+00> : vector<2048x64xf32>
    %dot_general3A_16 = tpu.matmul %max3A, %get3A_14, %dot_general3A_15 {dimension_numbers = #tpu.dot_dimension_numbers<[1], [0], [0], [1], [0, 0, 1, 1], [], []>, transpose_lhs_hint = false} : vector<2048x64xf32>, vector<64x64xf32>, vector<2048x64xf32> -> vector<2048x64xf32>
    %get3A_17 = arith.constant 0 : index
    %get3A_18 = arith.constant 0 : index
    %get3A_19 = vector.load %arg5[%get3A_17, %get3A_18] : memref<1x64xf32, #tpu.memory_space<vmem>>, vector<1x64xf32>
    %add3A_20 = vector.broadcast %get3A_19 : vector<1x64xf32> to vector<2048x64xf32>
    %add3A_21 = arith.addf %dot_general3A_16, %add3A_20 : vector<2048x64xf32>
    %mul3A_22 = arith.constant 0.00999999977 : f32
    %mul3A_23 = vector.broadcast %mul3A_22 : f32 to vector<2048x64xf32>
    %mul3A_24 = arith.mulf %mul3A_23, %add3A_21 : vector<2048x64xf32>
    %max3A_25 = arith.maximumf %add3A_21, %mul3A_24 : vector<2048x64xf32>
    %get3A_26 = arith.constant 0 : index
    %get3A_27 = arith.constant 0 : index
    %get3A_28 = vector.load %arg6[%get3A_26, %get3A_27] : memref<64x64xf32, #tpu.memory_space<vmem>>, vector<64x64xf32>
    %dot_general3A_29 = arith.constant dense<0.000000e+00> : vector<2048x64xf32>
    %dot_general3A_30 = tpu.matmul %max3A_25, %get3A_28, %dot_general3A_29 {dimension_numbers = #tpu.dot_dimension_numbers<[1], [0], [0], [1], [0, 0, 1, 1], [], []>, transpose_lhs_hint = false} : vector<2048x64xf32>, vector<64x64xf32>, vector<2048x64xf32> -> vector<2048x64xf32>
    %get3A_31 = arith.constant 0 : index
    %get3A_32 = arith.constant 0 : index
    %get3A_33 = vector.load %arg7[%get3A_31, %get3A_32] : memref<1x64xf32, #tpu.memory_space<vmem>>, vector<1x64xf32>
    %add3A_34 = vector.broadcast %get3A_33 : vector<1x64xf32> to vector<2048x64xf32>
    %add3A_35 = arith.addf %dot_general3A_30, %add3A_34 : vector<2048x64xf32>
    %get3A_36 = arith.constant 0 : index
    %get3A_37 = arith.constant 0 : index
    %get3A_38 = vector.load %arg8[%get3A_36, %get3A_37] : memref<50x80xf32, #tpu.memory_space<vmem>>, vector<50x80xf32>
    %dot_general3A_39 = arith.constant dense<0.000000e+00> : vector<2048x80xf32>
    %dot_general3A_40 = tpu.matmul %get3A_1, %get3A_38, %dot_general3A_39 {dimension_numbers = #tpu.dot_dimension_numbers<[1], [0], [0], [1], [0, 0, 1, 1], [], []>, transpose_lhs_hint = false} : vector<2048x50xf32>, vector<50x80xf32>, vector<2048x80xf32> -> vector<2048x80xf32>
    %get3A_41 = arith.constant 0 : index
    %get3A_42 = arith.constant 0 : index
    %get3A_43 = vector.load %arg9[%get3A_41, %get3A_42] : memref<1x80xf32, #tpu.memory_space<vmem>>, vector<1x80xf32>
    %add3A_44 = vector.broadcast %get3A_43 : vector<1x80xf32> to vector<2048x80xf32>
    %add3A_45 = arith.addf %dot_general3A_40, %add3A_44 : vector<2048x80xf32>
    %mul3A_46 = arith.constant 0.00999999977 : f32
    %mul3A_47 = vector.broadcast %mul3A_46 : f32 to vector<2048x80xf32>
    %mul3A_48 = arith.mulf %mul3A_47, %add3A_45 : vector<2048x80xf32>
    %max3A_49 = arith.maximumf %add3A_45, %mul3A_48 : vector<2048x80xf32>
    %get3A_50 = arith.constant 0 : index
    %get3A_51 = arith.constant 0 : index
    %get3A_52 = vector.load %arg10[%get3A_50, %get3A_51] : memref<80x80xf32, #tpu.memory_space<vmem>>, vector<80x80xf32>
    %dot_general3A_53 = arith.constant dense<0.000000e+00> : vector<2048x80xf32>
    %dot_general3A_54 = tpu.matmul %max3A_49, %get3A_52, %dot_general3A_53 {dimension_numbers = #tpu.dot_dimension_numbers<[1], [0], [0], [1], [0, 0, 1, 1], [], []>, transpose_lhs_hint = false} : vector<2048x80xf32>, vector<80x80xf32>, vector<2048x80xf32> -> vector<2048x80xf32>
    %get3A_55 = arith.constant 0 : index
    %get3A_56 = arith.constant 0 : index
    %get3A_57 = vector.load %arg11[%get3A_55, %get3A_56] : memref<1x80xf32, #tpu.memory_space<vmem>>, vector<1x80xf32>
    %add3A_58 = vector.broadcast %get3A_57 : vector<1x80xf32> to vector<2048x80xf32>
    %add3A_59 = arith.addf %dot_general3A_54, %add3A_58 : vector<2048x80xf32>
    %mul3A_60 = arith.constant 0.00999999977 : f32
    %mul3A_61 = vector.broadcast %mul3A_60 : f32 to vector<2048x80xf32>
    %mul3A_62 = arith.mulf %mul3A_61, %add3A_59 : vector<2048x80xf32>
    %max3A_63 = arith.maximumf %add3A_59, %mul3A_62 : vector<2048x80xf32>
    %get3A_64 = arith.constant 0 : index
    %get3A_65 = arith.constant 0 : index
    %get3A_66 = vector.load %arg12[%get3A_64, %get3A_65] : memref<80x80xf32, #tpu.memory_space<vmem>>, vector<80x80xf32>
    %dot_general3A_67 = arith.constant dense<0.000000e+00> : vector<2048x80xf32>
    %dot_general3A_68 = tpu.matmul %max3A_63, %get3A_66, %dot_general3A_67 {dimension_numbers = #tpu.dot_dimension_numbers<[1], [0], [0], [1], [0, 0, 1, 1], [], []>, transpose_lhs_hint = false} : vector<2048x80xf32>, vector<80x80xf32>, vector<2048x80xf32> -> vector<2048x80xf32>
    %get3A_69 = arith.constant 0 : index
    %get3A_70 = arith.constant 0 : index
    %get3A_71 = vector.load %arg13[%get3A_69, %get3A_70] : memref<1x80xf32, #tpu.memory_space<vmem>>, vector<1x80xf32>
    %add3A_72 = vector.broadcast %get3A_71 : vector<1x80xf32> to vector<2048x80xf32>
    %add3A_73 = arith.addf %dot_general3A_68, %add3A_72 : vector<2048x80xf32>
    %get3A_74 = arith.constant 0 : index
    %get3A_75 = arith.constant 0 : index
    %get3A_76 = vector.load %arg14[%get3A_74, %get3A_75] : memref<64x144xf32, #tpu.memory_space<vmem>>, vector<64x144xf32>
    %dot_general3A_77 = arith.constant dense<0.000000e+00> : vector<2048x144xf32>
    %dot_general3A_78 = tpu.matmul %add3A_35, %get3A_76, %dot_general3A_77 {dimension_numbers = #tpu.dot_dimension_numbers<[1], [0], [0], [1], [0, 0, 1, 1], [], []>, transpose_lhs_hint = false} : vector<2048x64xf32>, vector<64x144xf32>, vector<2048x144xf32> -> vector<2048x144xf32>
    %get3A_79 = arith.constant 0 : index
    %get3A_80 = arith.constant 0 : index
    %get3A_81 = vector.load %arg15[%get3A_79, %get3A_80] : memref<80x144xf32, #tpu.memory_space<vmem>>, vector<80x144xf32>
    %dot_general3A_82 = arith.constant dense<0.000000e+00> : vector<2048x144xf32>
    %dot_general3A_83 = tpu.matmul %add3A_73, %get3A_81, %dot_general3A_82 {dimension_numbers = #tpu.dot_dimension_numbers<[1], [0], [0], [1], [0, 0, 1, 1], [], []>, transpose_lhs_hint = false} : vector<2048x80xf32>, vector<80x144xf32>, vector<2048x144xf32> -> vector<2048x144xf32>
    %add3A_84 = arith.addf %dot_general3A_78, %dot_general3A_83 : vector<2048x144xf32>
    %get3A_85 = arith.constant 0 : index
    %get3A_86 = arith.constant 0 : index
    %get3A_87 = vector.load %arg16[%get3A_85, %get3A_86] : memref<1x144xf32, #tpu.memory_space<vmem>>, vector<1x144xf32>
    %add3A_88 = vector.broadcast %get3A_87 : vector<1x144xf32> to vector<2048x144xf32>
    %add3A_89 = arith.addf %add3A_84, %add3A_88 : vector<2048x144xf32>
    %mul3A_90 = arith.constant 0.00999999977 : f32
    %mul3A_91 = vector.broadcast %mul3A_90 : f32 to vector<2048x144xf32>
    %mul3A_92 = arith.mulf %mul3A_91, %add3A_89 : vector<2048x144xf32>
    %max3A_93 = arith.maximumf %add3A_89, %mul3A_92 : vector<2048x144xf32>
    %get3A_94 = arith.constant 0 : index
    %get3A_95 = arith.constant 0 : index
    %get3A_96 = vector.load %arg17[%get3A_94, %get3A_95] : memref<144x64xf32, #tpu.memory_space<vmem>>, vector<144x64xf32>
    %dot_general3A_97 = arith.constant dense<0.000000e+00> : vector<2048x64xf32>
    %dot_general3A_98 = tpu.matmul %max3A_93, %get3A_96, %dot_general3A_97 {dimension_numbers = #tpu.dot_dimension_numbers<[1], [0], [0], [1], [0, 0, 1, 1], [], []>, transpose_lhs_hint = false} : vector<2048x144xf32>, vector<144x64xf32>, vector<2048x64xf32> -> vector<2048x64xf32>
    %get3A_99 = arith.constant 0 : index
    %get3A_100 = arith.constant 0 : index
    %get3A_101 = vector.load %arg18[%get3A_99, %get3A_100] : memref<1x64xf32, #tpu.memory_space<vmem>>, vector<1x64xf32>
    %add3A_102 = vector.broadcast %get3A_101 : vector<1x64xf32> to vector<2048x64xf32>
    %add3A_103 = arith.addf %dot_general3A_98, %add3A_102 : vector<2048x64xf32>
    %mul3A_104 = arith.constant 0.00999999977 : f32
    %mul3A_105 = vector.broadcast %mul3A_104 : f32 to vector<2048x64xf32>
    %mul3A_106 = arith.mulf %mul3A_105, %add3A_103 : vector<2048x64xf32>
    %max3A_107 = arith.maximumf %add3A_103, %mul3A_106 : vector<2048x64xf32>
    %get3A_108 = arith.constant 0 : index
    %get3A_109 = arith.constant 0 : index
    %get3A_110 = vector.load %arg19[%get3A_108, %get3A_109] : memref<64x64xf32, #tpu.memory_space<vmem>>, vector<64x64xf32>
    %dot_general3A_111 = arith.constant dense<0.000000e+00> : vector<2048x64xf32>
    %dot_general3A_112 = tpu.matmul %max3A_107, %get3A_110, %dot_general3A_111 {dimension_numbers = #tpu.dot_dimension_numbers<[1], [0], [0], [1], [0, 0, 1, 1], [], []>, transpose_lhs_hint = false} : vector<2048x64xf32>, vector<64x64xf32>, vector<2048x64xf32> -> vector<2048x64xf32>
    %get3A_113 = arith.constant 0 : index
    %get3A_114 = arith.constant 0 : index
    %get3A_115 = vector.load %arg20[%get3A_113, %get3A_114] : memref<1x64xf32, #tpu.memory_space<vmem>>, vector<1x64xf32>
    %add3A_116 = vector.broadcast %get3A_115 : vector<1x64xf32> to vector<2048x64xf32>
    %add3A_117 = arith.addf %dot_general3A_112, %add3A_116 : vector<2048x64xf32>
    %get3A_118 = arith.constant 0 : index
    %get3A_119 = arith.constant 0 : index
    %get3A_120 = vector.load %arg21[%get3A_118, %get3A_119] : memref<50x248xf32, #tpu.memory_space<vmem>>, vector<50x248xf32>
    %dot_general3A_121 = arith.constant dense<0.000000e+00> : vector<2048x248xf32>
    %dot_general3A_122 = tpu.matmul %get3A_1, %get3A_120, %dot_general3A_121 {dimension_numbers = #tpu.dot_dimension_numbers<[1], [0], [0], [1], [0, 0, 1, 1], [], []>, transpose_lhs_hint = false} : vector<2048x50xf32>, vector<50x248xf32>, vector<2048x248xf32> -> vector<2048x248xf32>
    %get3A_123 = arith.constant 0 : index
    %get3A_124 = arith.constant 0 : index
    %get3A_125 = vector.load %arg22[%get3A_123, %get3A_124] : memref<1x248xf32, #tpu.memory_space<vmem>>, vector<1x248xf32>
    %add3A_126 = vector.broadcast %get3A_125 : vector<1x248xf32> to vector<2048x248xf32>
    %add3A_127 = arith.addf %dot_general3A_122, %add3A_126 : vector<2048x248xf32>
    %concatenate3A = tpu.concatenate %add3A_117, %add3A_127 in 1 : vector<2048x64xf32>, vector<2048x248xf32> -> vector<2048x312xf32>
    %swap3A = arith.constant 0 : index
    %swap3A_128 = arith.constant 0 : index
    %swap3A_129 = vector.load %arg23[%swap3A, %swap3A_128] : memref<2048x312xf32, #tpu.memory_space<vmem>>, vector<2048x312xf32>
    tpu.vector_store %arg23[%swap3A, %swap3A_128], %concatenate3A {strides = array<i32>} : memref<2048x312xf32, #tpu.memory_space<vmem>>, vector<2048x312xf32>,
    return
  }
  func.func @transform_0(%arg0: i32) -> (i32, i32) {
    %c0_i32 = arith.constant 0 : i32
    %c0_i32_0 = arith.constant 0 : i32
    return %arg0, %c0_i32 : i32, i32
  }
  func.func @transform_1(%arg0: i32) -> (i32, i32) {
    %c0_i32 = arith.constant 0 : i32
    %c0_i32_0 = arith.constant 0 : i32
    %c0_i32_1 = arith.constant 0 : i32
    return %c0_i32, %c0_i32_0 : i32, i32
  }
  func.func @transform_2(%arg0: i32) -> (i32, i32) {
    %c0_i32 = arith.constant 0 : i32
    %c0_i32_0 = arith.constant 0 : i32
    %c0_i32_1 = arith.constant 0 : i32
    return %c0_i32, %c0_i32_0 : i32, i32
  }
  func.func @transform_3(%arg0: i32) -> (i32, i32) {
    %c0_i32 = arith.constant 0 : i32
    %c0_i32_0 = arith.constant 0 : i32
    %c0_i32_1 = arith.constant 0 : i32
    return %c0_i32, %c0_i32_0 : i32, i32
  }
  func.func @transform_4(%arg0: i32) -> (i32, i32) {
    %c0_i32 = arith.constant 0 : i32
    %c0_i32_0 = arith.constant 0 : i32
    %c0_i32_1 = arith.constant 0 : i32
    return %c0_i32, %c0_i32_0 : i32, i32
  }
  func.func @transform_5(%arg0: i32) -> (i32, i32) {
    %c0_i32 = arith.constant 0 : i32
    %c0_i32_0 = arith.constant 0 : i32
    %c0_i32_1 = arith.constant 0 : i32
    return %c0_i32, %c0_i32_0 : i32, i32
  }
  func.func @transform_6(%arg0: i32) -> (i32, i32) {
    %c0_i32 = arith.constant 0 : i32
    %c0_i32_0 = arith.constant 0 : i32
    %c0_i32_1 = arith.constant 0 : i32
    return %c0_i32, %c0_i32_0 : i32, i32
  }
  func.func @transform_7(%arg0: i32) -> (i32, i32) {
    %c0_i32 = arith.constant 0 : i32
    %c0_i32_0 = arith.constant 0 : i32
    %c0_i32_1 = arith.constant 0 : i32
    return %c0_i32, %c0_i32_0 : i32, i32
  }
  func.func @transform_8(%arg0: i32) -> (i32, i32) {
    %c0_i32 = arith.constant 0 : i32
    %c0_i32_0 = arith.constant 0 : i32
    %c0_i32_1 = arith.constant 0 : i32
    return %c0_i32, %c0_i32_0 : i32, i32
  }
  func.func @transform_9(%arg0: i32) -> (i32, i32) {
    %c0_i32 = arith.constant 0 : i32
    %c0_i32_0 = arith.constant 0 : i32
    %c0_i32_1 = arith.constant 0 : i32
    return %c0_i32, %c0_i32_0 : i32, i32
  }
  func.func @transform_10(%arg0: i32) -> (i32, i32) {
    %c0_i32 = arith.constant 0 : i32
    %c0_i32_0 = arith.constant 0 : i32
    %c0_i32_1 = arith.constant 0 : i32
    return %c0_i32, %c0_i32_0 : i32, i32
  }
  func.func @transform_11(%arg0: i32) -> (i32, i32) {
    %c0_i32 = arith.constant 0 : i32
    %c0_i32_0 = arith.constant 0 : i32
    %c0_i32_1 = arith.constant 0 : i32
    return %c0_i32, %c0_i32_0 : i32, i32
  }
  func.func @transform_12(%arg0: i32) -> (i32, i32) {
    %c0_i32 = arith.constant 0 : i32
    %c0_i32_0 = arith.constant 0 : i32
    %c0_i32_1 = arith.constant 0 : i32
    return %c0_i32, %c0_i32_0 : i32, i32
  }
  func.func @transform_13(%arg0: i32) -> (i32, i32) {
    %c0_i32 = arith.constant 0 : i32
    %c0_i32_0 = arith.constant 0 : i32
    %c0_i32_1 = arith.constant 0 : i32
    return %c0_i32, %c0_i32_0 : i32, i32
  }
  func.func @transform_14(%arg0: i32) -> (i32, i32) {
    %c0_i32 = arith.constant 0 : i32
    %c0_i32_0 = arith.constant 0 : i32
    %c0_i32_1 = arith.constant 0 : i32
    return %c0_i32, %c0_i32_0 : i32, i32
  }
  func.func @transform_15(%arg0: i32) -> (i32, i32) {
    %c0_i32 = arith.constant 0 : i32
    %c0_i32_0 = arith.constant 0 : i32
    %c0_i32_1 = arith.constant 0 : i32
    return %c0_i32, %c0_i32_0 : i32, i32
  }
  func.func @transform_16(%arg0: i32) -> (i32, i32) {
    %c0_i32 = arith.constant 0 : i32
    %c0_i32_0 = arith.constant 0 : i32
    %c0_i32_1 = arith.constant 0 : i32
    return %c0_i32, %c0_i32_0 : i32, i32
  }
  func.func @transform_17(%arg0: i32) -> (i32, i32) {
    %c0_i32 = arith.constant 0 : i32
    %c0_i32_0 = arith.constant 0 : i32
    %c0_i32_1 = arith.constant 0 : i32
    return %c0_i32, %c0_i32_0 : i32, i32
  }
  func.func @transform_18(%arg0: i32) -> (i32, i32) {
    %c0_i32 = arith.constant 0 : i32
    %c0_i32_0 = arith.constant 0 : i32
    %c0_i32_1 = arith.constant 0 : i32
    return %c0_i32, %c0_i32_0 : i32, i32
  }
  func.func @transform_19(%arg0: i32) -> (i32, i32) {
    %c0_i32 = arith.constant 0 : i32
    %c0_i32_0 = arith.constant 0 : i32
    %c0_i32_1 = arith.constant 0 : i32
    return %c0_i32, %c0_i32_0 : i32, i32
  }
  func.func @transform_20(%arg0: i32) -> (i32, i32) {
    %c0_i32 = arith.constant 0 : i32
    %c0_i32_0 = arith.constant 0 : i32
    %c0_i32_1 = arith.constant 0 : i32
    return %c0_i32, %c0_i32_0 : i32, i32
  }
  func.func @transform_21(%arg0: i32) -> (i32, i32) {
    %c0_i32 = arith.constant 0 : i32
    %c0_i32_0 = arith.constant 0 : i32
    %c0_i32_1 = arith.constant 0 : i32
    return %c0_i32, %c0_i32_0 : i32, i32
  }
  func.func @transform_22(%arg0: i32) -> (i32, i32) {
    %c0_i32 = arith.constant 0 : i32
    %c0_i32_0 = arith.constant 0 : i32
    return %arg0, %c0_i32 : i32, i32
  }
}

</mosaic_0001>

<sc_bundles>
// kernel: sparse-core-data-format-call.1.cloned.1.call-start
scs
called_computation.1_lowered:
.L_overlay_start_0:
0x0: {  	s2 =	sld [smem:$0x3FD9]  }
0x1: {  	s3 =	sld [smem:$0x3FFE];
	_ =	sdelay $0x1  }
0x2: {  	s1 =	srdreg.scid  }
0x3: {  	s0 =	sand.u32 $0x1, s1  }
0x4: {  	s19 =	sshll.u32 s0, $0xA;
	s2 =	sadd.s32 s3, s2  }
0x5: {  	s2 =	sadd.s32 s2, s19  }
0x6: {  	[smem:$0x3FA1] =	sst s2  }
0x7: {  	_ = 	snop  }
0x8: {  	s2 =	sld [smem:$0x3FC9]  }
0x9: {  	s20 =	sld [smem:$0x3FD0];
	(tm) =	ssettm $0x1  }
0xa: {  	s4 =	sld [smem:$0x3FFB];
	_ =	sdelay $0x3  }
0xb: {  	_ =	strace s4  }
0xc: {  	s4 =	sld [smem:$0x3FFC];
	_ =	sdelay $0x3  }
0xd: {  	_ =	strace s4  }
0xe: {  	s4 =	sld [smem:$0x3FFD];
	_ =	sdelay $0x3  }
0xf: {  	_ =	strace s4  }
0x10: {  	_ =	strace $0x8FFFFFFF  }
0x11: {  	s21 =	sld [smem:$0x3FDB];
	_ =	sdelay $0x1  }
0x12: {  	s5 =	simm.s32 $_scs_section_size  }
0x13: {  	s6 =	simm.s32 $_size__tile_overlayer_lowered;
	s7 =	simm.s32 $_tile_overlayer_lowered  }
0x14: {  	s24 =	simm.s32 $0x1BFF;
	s23 =	sshll.u32 s7, $0x1;
	s4 =	sadd.s32 s5, s21  }
0x15: {  	s8 =	simm.s32 $0x0;
	s22 =	sshll.u32 s6, $0x1;
	s6 =	sadd.s32 s23, s4  }
0x16: {  	[timem:s8], [sflag:s24] =	dma.local [hbm:s6], s22  }
0x17: {  	_ =	swait.ge [sflag:s24], s22  }
0x18: {  	s5 =	ssub.s32 $0x0, s22;
	[sflag:s24] =	ssyncset.done $0x0  }
0x19: {  	[sflag:s24] =	ssyncadd.s32 s5;
	_ =	sdelay $0x1  }
0x1a: {  	s25 =	simm.s32 $0x1B8B  }
0x1b: {  	_ =	swait.ge [sflag:s25], $0x1  }
0x1c: {  	[sflag:s25] =	ssyncset.done $0x0  }
0x1d: {  	s26 =	simm.s32 $0x1B8E;
	[sflag:s25] =	ssyncadd.s32 $0xFFFFFFFF  }
0x1e: {  	s27 =	simm.s32 $execute0_lowered;
	[smem:$0x3FD2] =	sst s26  }
0x1f: {  	s5 =	sshll.u32 s27, $0x1;
	_ =	strace $0x80000046;
	[dreg:$0x1] =	wrdreg $0xFFFFFFFF  }
0x20: {  	s28 =	simm.s32 $_size_execute0_lowered;
	s4 =	sadd.s32 s4, s5;
	[dreg:$0x0] =	wrdreg $0x0  }
0x21: {  	s5 =	sshll.u32 s28, $0x1;
	[dreg:$0x2] =	wrdreg s4  }
0x22: {  	[dreg:$0x3] =	wrdreg s5  }
0x23: {  	[dreg:$0x4] =	wrdreg $0xC0  }
0x24: {  	_ =	task [dreg:s8], $0x5FFFF  }
0x25: {  	[dreg:$0x1] =	wrdreg $0xFFFFFFFF  }
0x26: {  	[dreg:$0x0] =	wrdreg $0x60  }
0x27: {  	[dreg:$0x2] =	wrdreg s2  }
0x28: {  	[dreg:$0x3] =	wrdreg s20  }
0x29: {  	[dreg:$0x4] =	wrdreg $0x9  }
0x2a: {  	_ =	task.clear_ibuf [dreg:s8], $0x5FFFF;
	_ =	strace $0x90000046  }
0x2b: {  	s29 =	simm.s32 $0x9;
	_ =	strace $0x80000048  }
0x2c: {  	_ =	swait.ge [sflag:s29], $0x1  }
0x2d: {  	[sflag:s29] =	ssyncadd.s32 $0xFFFFFFFF  }
0x2e: {  	_ =	strace $0x90000048  }
0x2f: {  	_ =	sfence  }
0x30: {  	s30 =	sld [smem:$0x0];
	_ =	sdelay $0x2  }
0x31: {  	s31 =	sshll.u32 s1, $0xD;
	s1 =	sshrl.u32 s1, $0x2  }
0x32: {  	s3 =	sand.u32 $0x4000, s31;
	s1 =	sadd.s32 s1, s30  }
0x33: {  	s0 =	sor.u32 s3, s0;
	s1 =	sshll.u32 s1, $0x11  }
0x34: {  	s0 =	sor.u32 s1, s0  }
0x35: {  	s0 =	sadd.s32 $0x8F2B, s0  }
0x36: {  	[sflag:s0] =	ssyncadd.remote.s32 $0x1  }
0x37: {  	_ =	sfence.sel $0xFFFF  }
0x38: {  	[dreg:$0x0] =	wrdreg $0xFFFFFFFF;
	(pc) =	sbr.abs _section_cstart, $3  }
0x39: {  	[dreg:$0x1] =	wrdreg $0xFFFFFFFF  }
0x3a: {  	_ =	task.clear_ibuf [dreg:s8], $0x2FFFF;
	_ =	strace $0x9FFFFFFF  }
0x3b: {  	(tm) =	ssettm $0x7FFFFFFF  }
tec
execute0_lowered:
.L_overlay_start_1:
0x0: {  	(tag) =	ssettag $0x1  }
0x1: {  	s0 =	stileid.u32;
	s7 =	rddreg [dreg:$0x0]  }
0x2: {  	s1 =	srdreg.scid;
	s4 =	rddreg [dreg:$0x1]  }
0x3: {  	s31 =	simm.s32 $0x2;
	s2 =	sshll.u32 s0, $0x7;
	s1 =	sshll.u32 s1, $0xB  }
0x4: {  	s13 =	simm.s32 $0x0;
	s1 =	sor.u32 s2, s1;
	s2 =	sand.u32 $0x1, s0  }
0x5: {  	s10 =	simm.s32 $0x1C00;
	s1 =	sand.u32 $0xF00, s1;
	s5 =	ssub.s32 $0x32, s2  }
0x6: {  	s14 =	simm.s32 $0x0;
	s3 =	ssub.s32 $0x1000, s1;
	s8 =	sshrl.u32 s5, $0x1  }
0x7: {  	s5 =	sand.u32 $0x1, s5;
	s6 =	sand.u32 $0xF00, s3;
	s9 =	sshrl.u32 s3, $0xC  }
0x8: {  	s3 =	rddreg [dreg:$0x2];
	p0 =	sne.s32 s6, $0x0;
	s6 =	simm.s32 $0x1  }
.Ltmp0:
0x9: {  	s8 =	sadd.s32 s5, s8;
	s6 =	simm.s32 @!p0 $0x0;
	(pc) =	sbr.rel .LBB1_1-.Ltmp0, $4  }
0xa: {  	_ =	strace $0x80000047;
	s5 =	simm.s32 $0x1;
	s6 =	sadd.s32 s6, s9  }
0xb: {  	s12 =	simm.s32 $0x0;
	[sflag:s5] =	ssyncpa.u1 $0x0;
	s6 =	smul.u32 s8, s6  }
0xc: {  	s11 =	smov.u32 s2;
	s7 =	sadd.s32 s7, s1;
	[sflag:s31] =	ssyncpa.u1 $0x0  }
0xd: {  	p0 =	por $0x0, $0x0;
	s9 =	simm.s32 $0x40;
	s8 =	sadd.s32 $0x1, s6  }
.LBB1_4:
0xe: {  	_ = 	snop  }
0xf: {  	[tilespmem:s19+$0x1860 ss:$0x41] =	vst.msk $0xffff, v8  }
0x10: {  	[tilespmem:s19+$0x1C70 ss:$0x41] =	vst.msk $0xffff, v7  }
0x11: {  	[tilespmem:s19+$0x2490 ss:$0x41] =	vst.msk $0xffff, v1  }
0x12: {  	s22 =	sor.u32 s25, s24;
	v47 =	vld.idx.msk [tilespmem:v0+s17+$0x470 ss:$0x1], $0xffff;
	[tilespmem:s19+$0x28A0 ss:$0x41] =	vst.msk $0xffff, v2  }
0x13: {  	[tilespmem:s19+$0x2CB0 ss:$0x41] =	vst.msk $0xffff, v3;
	v57 =	vld.idx.msk [tilespmem:v0+s22+$0x410 ss:$0x1], $0xffff  }
0x14: {  	[tilespmem:s19+$0x30C0 ss:$0x41] =	vst.msk $0xffff, v4;
	v58 =	vld.idx.msk [tilespmem:v0+s22+$0x420 ss:$0x1], $0xffff  }
0x15: {  	[tilespmem:s19+$0x34D0 ss:$0x41] =	vst.msk $0xffff, v5;
	v59 =	vld.idx.msk [tilespmem:v0+s22+$0x430 ss:$0x1], $0xffff  }
0x16: {  	s30 =	sshra.s32 s20, $0x2;
	[tilespmem:s19+$0x38E0 ss:$0x41] =	vst.msk $0xffff, v6;
	v60 =	vld.idx.msk [tilespmem:v0+s22+$0x440 ss:$0x1], $0xffff  }
0x17: {  	s23 =	sand.u32 $0x3B00, s22;
	s17 =	sadd.s32 s30, s18;
	v61 =	vld.idx.msk [tilespmem:v0+s22+$0x450 ss:$0x1], $0xffff;
	[tilespmem:s19+$0x3CF0 ss:$0x41] =	vst.msk $0xffff, v47  }
0x18: {  	s21 =	sand.u32 $0x80, s21;
	v62 =	vld.idx.msk [tilespmem:v0+s22+$0x460 ss:$0x1], $0xffff;
	s16 =	sadd.s32 s23, s16;
	[tilespmem:s17+$0x2490 ss:$0x41] =	vst.msk $0xffff, v57  }
0x19: {  	v63 =	vld.idx.msk [tilespmem:v0+s22+$0x470 ss:$0x1], $0xffff;
	s16 =	sadd.s32 s21, s16;
	[tilespmem:s17+$0x28A0 ss:$0x41] =	vst.msk $0xffff, v58  }
0x1a: {  	v48 =	vld [tilespmem:s16+$0x400];
	[tilespmem:s17+$0x2CB0 ss:$0x41] =	vst.msk $0xffff, v59  }
0x1b: {  	v49 =	vld [tilespmem:s16+$0x0];
	[tilespmem:s17+$0x30C0 ss:$0x41] =	vst.msk $0xffff, v60  }
0x1c: {  	v50 =	vld [tilespmem:s16+$0x10];
	[tilespmem:s17+$0x34D0 ss:$0x41] =	vst.msk $0xffff, v61  }
0x1d: {  	v51 =	vld [tilespmem:s16+$0x20];
	[tilespmem:s17+$0x38E0 ss:$0x41] =	vst.msk $0xffff, v62  }
0x1e: {  	v52 =	vld [tilespmem:s16+$0x30];
	[tilespmem:s17+$0x3CF0 ss:$0x41] =	vst.msk $0xffff, v63  }
0x1f: {  	v53 =	vld [tilespmem:s16+$0x40];
	[tilespmem:s17+$0x2080 ss:$0x41] =	vst.msk $0xffff, v48  }
0x20: {  	s14 =	sand.u32 $0x1FFFFFF, s14;
	v54 =	vld [tilespmem:s16+$0x50];
	[tilespmem:s17+$0x0 ss:$0x41] =	vst.msk $0xffff, v49  }
0x21: {  	s31 =	smulhi.u32 $0x4924925, s14;
	v55 =	vld [tilespmem:s16+$0x60];
	[tilespmem:s17+$0x410 ss:$0x41] =	vst.msk $0xffff, v50  }
0x22: {  	v56 =	vld [tilespmem:s16+$0x70];
	[tilespmem:s17+$0x820 ss:$0x41] =	vst.msk $0xffff, v51  }
0x23: {  	s16 =	smul.u32 $0x38, s31;
	[tilespmem:s17+$0xC30 ss:$0x41] =	vst.msk $0xffff, v52  }
0x24: {  	s13 =	smul.u32 $0x380, s13;
	[tilespmem:s17+$0x1040 ss:$0x41] =	vst.msk $0xffff, v53  }
0x25: {  	s14 =	ssub.s32 s14, s16;
	[tilespmem:s17+$0x1450 ss:$0x41] =	vst.msk $0xffff, v54  }
0x26: {  	s13 =	sadd.s32 s4, s13;
	s14 =	sshll.u32 s14, $0x4;
	[tilespmem:s17+$0x1860 ss:$0x41] =	vst.msk $0xffff, v55  }
0x27: {  	s13 =	sadd.s32 s14, s13;
	[tilespmem:s17+$0x1C70 ss:$0x41] =	vst.msk $0xffff, v56  }
0x28: {  	[hbm4b:s13+s9] =	stream.strided.scatter [tilespmem:s15], [sflag:$0x2], $0x4000, s10, s9, $0x18;
	[tilespmem:$0x10200] =	vst v63  }
.LBB1_5:
0x29: {  	s15 =	sadd.s32 $0x2, s11  }
0x2a: {  	p2 =	sgt.s32 s15, $0x31  }
0x2b: {  	s15 =	smov.u32 @p2 s2;
	p2 =	sne.s32 s12, s8  }
.Ltmp1:
0x2c: {  	p1 =	slt.u32 s12, $0x2;
	(pc) =	sbr.rel @!p2 .LBB1_6-.Ltmp1, $4  }
0x2d: {  	s13 =	simm.s32 @!p1 $0x2  }
0x2e: {  	s16 =	sadd.s32 $0x1, s12;
	s14 =	smov.u32 s11;
	_ =	swait.ge @!p1 [sflag:s13], $0x4000  }
0x2f: {  	p0 =	por !p0, !p0;
	s12 =	smov.u32 s16;
	[sflag:s13] =	ssyncset.done @!p1 $0x0  }
0x30: {  	s11 =	smov.u32 s15;
	[sflag:s13] =	ssyncadd.s32 @!p1 $0xFFFFC000;
	s13 =	smov.u32 s1  }
.LBB1_1:
0x31: {  	p1 =	sge.u32 s12, s6  }
0x32: {  	p2 =	sgt.s32 @!p1 s11, $0x31  }
0x33: {  	s15 =	smov.u32 s11;
	s16 =	sshra.s32 @!p1 s11, $0x1F;
	p2 =	por !p2, p1  }
0x34: {  	s16 =	sand.u32 @!p1 s16, s11;
	s15 =	simm.s32 @p2 $0x31  }
0x35: {  	s15 =	ssub.s32 @!p1 s15, s16  }
0x36: {  	s16 =	ssub.s32 @!p1 $0x32, s15  }
0x37: {  	s31 =	sadd.s32 $0xFFFFFFFF, s12;
	s16 =	smul.u32 @!p1 $0x3800, s16  }
0x38: {  	s17 =	sxor.u32 @!p1 $0xFFFFFFFF, s12;
	s18 =	simm.s32 @!p1 $0x800;
	s15 =	sadd.s32 @!p1 $0xFFFFFFCF, s15  }
0x39: {  	p2 =	sgt.s32 @!p1 s15, $0x0;
	s15 =	sand.u32 @!p1 $0x3FFFF800, s16;
	s16 =	smul.u32 @!p1 $0x7000, s11  }
0x3a: {  	s19 =	simm.s32 @!p1 $0x8000;
	s17 =	sshll.u32 @!p1 s17, $0xE;
	p2 =	por !p2, p1  }
0x3b: {  	s17 =	sand.u32 @!p1 $0x4000, s17;
	s15 =	simm.s32 @!p2 $0x0;
	s16 =	sadd.s32 @!p1 s16, s7  }
0x3c: {  	[tilespmem:s17], [sflag:$0x1] =	stream.strided.gather @!p1 [hbm4b:s16+s18], s15, s19, s18, $0x38;
	[tilespmem:$0x10200] =	vst v63  }
0x3d: {  	p1 =	sge.u32 s31, s6  }
.Ltmp2:
0x3e: {  	_ = 	snop;
	(pc) =	sbr.rel @p1 .LBB1_5-.Ltmp2, $1  }
0x3f: {  	_ =	sdelay $0x3  }
0x40: {  	p1 =	sgt.s32 s14, $0x31;
	s15 =	smov.u32 s14;
	s16 =	sshra.s32 s14, $0x1F  }
0x41: {  	s15 =	simm.s32 @!p1 $0x31;
	s16 =	sand.u32 s16, s14  }
0x42: {  	s15 =	ssub.s32 s15, s16  }
0x43: {  	s16 =	ssub.s32 $0x32, s15  }
0x44: {  	s20 =	sand.u32 $0x1, s12;
	s17 =	smul.u32 $0x3800, s16  }
0x45: {  	s15 =	sadd.s32 $0xFFFFFFCF, s15;
	s16 =	sshll.u32 s20, $0xE  }
0x46: {  	p1 =	sgt.s32 s15, $0x0;
	v0 =	vmov s16;
	s15 =	sand.u32 $0x3FFFF800, s17  }
0x47: {  	s30 =	simm.s32 $0x0;
	s15 =	simm.s32 @p1 $0x0  }
0x48: {  	s18 =	sand.u32 $0x3800, s30;
	_ =	swait.ge [sflag:s5], s15  }
0x49: {  	s19 =	sand.u32 $0x380, s30;
	s29 =	ssub.s32 $0x0, s15;
	[sflag:s5] =	ssyncset.done $0x0  }
0x4a: {  	s17 =	sor.u32 s19, s18;
	[sflag:s5] =	ssyncadd.s32 s29  }
0x4b: {  	s18 =	sand.u32 $0x3B00, s17;
	v1 =	vld.idx.msk [tilespmem:v0+s17+$0x410 ss:$0x1], $0xffff  }
0x4c: {  	s19 =	simm.s32 $0x1;
	s15 =	sand.u32 $0x80, s30;
	s18 =	sadd.s32 s18, s16;
	v2 =	vld.idx.msk [tilespmem:v0+s17+$0x420 ss:$0x1], $0xffff  }
0x4d: {  	s19 =	simm.s32 @!p0 $0x0;
	s15 =	sadd.s32 s15, s18;
	v3 =	vld.idx.msk [tilespmem:v0+s17+$0x430 ss:$0x1], $0xffff  }
0x4e: {  	s31 =	smul.u32 $0x10400, s19;
	v4 =	vld [tilespmem:s15+$0x400]  }
0x4f: {  	v5 =	vld [tilespmem:s15+$0x0]  }
0x50: {  	s18 =	sshrl.u32 s31, $0x2;
	v6 =	vld [tilespmem:s15+$0x10]  }
0x51: {  	s18 =	sor.u32 $0x8000, s18;
	v7 =	vld [tilespmem:s15+$0x20]  }
0x52: {  	v9 =	vld [tilespmem:s15+$0x30];
	s19 =	sadd.s32 $0x0, s18  }
0x53: {  	v10 =	vld [tilespmem:s15+$0x40];
	[tilespmem:s19+$0x2080 ss:$0x41] =	vst.msk $0xffff, v4  }
0x54: {  	v11 =	vld [tilespmem:s15+$0x50];
	[tilespmem:s19+$0x0 ss:$0x41] =	vst.msk $0xffff, v5  }
0x55: {  	v8 =	vld [tilespmem:s15+$0x60];
	[tilespmem:s19+$0x410 ss:$0x41] =	vst.msk $0xffff, v6  }
0x56: {  	s20 =	smul.u32 $0x10400, s20;
	[tilespmem:s19+$0x820 ss:$0x41] =	vst.msk $0xffff, v7;
	v7 =	vld [tilespmem:s15+$0x70]  }
0x57: {  	s21 =	simm.s32 $0x80;
	s22 =	simm.s32 $0x100;
	[tilespmem:s19+$0xC30 ss:$0x41] =	vst.msk $0xffff, v9;
	v4 =	vld.idx.msk [tilespmem:v0+s17+$0x440 ss:$0x1], $0xffff  }
0x58: {  	s23 =	simm.s32 $0x8;
	s24 =	sand.u32 $0x3800, s22;
	s20 =	sshrl.u32 s20, $0x2;
	[tilespmem:s19+$0x1040 ss:$0x41] =	vst.msk $0xffff, v10;
	v5 =	vld.idx.msk [tilespmem:v0+s17+$0x450 ss:$0x1], $0xffff  }
0x59: {  	s25 =	sand.u32 $0x380, s21;
	s15 =	sor.u32 $0x8000, s20;
	s20 =	simm.s32 $0x4;
	[tilespmem:s19+$0x1450 ss:$0x41] =	vst.msk $0xffff, v11;
	v6 =	vld.idx.msk [tilespmem:v0+s17+$0x460 ss:$0x1], $0xffff  }
.LBB1_3:
0x5a: {  	p1 =	sne.s32 s23, $0xFC;
	[tilespmem:s19+$0x1860 ss:$0x41] =	vst.msk $0xffff, v8;
	v8 =	vld.idx.msk [tilespmem:v0+s17+$0x470 ss:$0x1], $0xffff;
	s17 =	sor.u32 s25, s24  }
0x5b: {  	s24 =	sand.u32 $0x3B00, s17;
	v9 =	vld.idx.msk [tilespmem:v0+s17+$0x410 ss:$0x1], $0xffff;
	[tilespmem:s19+$0x1C70 ss:$0x41] =	vst.msk $0xffff, v7  }
0x5c: {  	s25 =	sand.u32 $0x80, s21;
	s24 =	sadd.s32 s24, s16;
	v7 =	vld.idx.msk [tilespmem:v0+s17+$0x420 ss:$0x1], $0xffff;
	[tilespmem:s19+$0x2490 ss:$0x41] =	vst.msk $0xffff, v1  }
0x5d: {  	s24 =	sadd.s32 s25, s24;
	v10 =	vld.idx.msk [tilespmem:v0+s17+$0x430 ss:$0x1], $0xffff;
	[tilespmem:s19+$0x28A0 ss:$0x41] =	vst.msk $0xffff, v2  }
0x5e: {  	v11 =	vld [tilespmem:s24+$0x400];
	[tilespmem:s19+$0x2CB0 ss:$0x41] =	vst.msk $0xffff, v3  }
0x5f: {  	v12 =	vld [tilespmem:s24+$0x0];
	[tilespmem:s19+$0x30C0 ss:$0x41] =	vst.msk $0xffff, v4  }
0x60: {  	v4 =	vld [tilespmem:s24+$0x10];
	[tilespmem:s19+$0x34D0 ss:$0x41] =	vst.msk $0xffff, v5  }
0x61: {  	s25 =	sshra.s32 s20, $0x2;
	s20 =	smov.u32 s23;
	v1 =	vmov v9;
	v5 =	vld [tilespmem:s24+$0x20];
	[tilespmem:s19+$0x38E0 ss:$0x41] =	vst.msk $0xffff, v6  }
0x62: {  	v2 =	vmov v7;
	v6 =	vld [tilespmem:s24+$0x30];
	[tilespmem:s19+$0x3CF0 ss:$0x41] =	vst.msk $0xffff, v8;
	s19 =	sadd.s32 s25, s18  }
0x63: {  	v3 =	vmov v10;
	v9 =	vld [tilespmem:s24+$0x40];
	[tilespmem:s19+$0x2080 ss:$0x41] =	vst.msk $0xffff, v11  }
0x64: {  	[tilespmem:s19+$0x0 ss:$0x41] =	vst.msk $0xffff, v12;
	v10 =	vld [tilespmem:s24+$0x50]  }
.Ltmp3:
0x65: {  	[tilespmem:s19+$0x410 ss:$0x41] =	vst.msk $0xffff, v4;
	v8 =	vld [tilespmem:s24+$0x60];
	(pc) =	sbr.rel @p1 .LBB1_3-.Ltmp3, $4  }
0x66: {  	[tilespmem:s19+$0x820 ss:$0x41] =	vst.msk $0xffff, v5;
	v7 =	vld [tilespmem:s24+$0x70]  }
0x67: {  	[tilespmem:s19+$0xC30 ss:$0x41] =	vst.msk $0xffff, v6;
	v4 =	vld.idx.msk [tilespmem:v0+s17+$0x440 ss:$0x1], $0xffff  }
0x68: {  	s21 =	sadd.s32 $0x80, s21;
	s22 =	sadd.s32 $0x100, s22;
	[tilespmem:s19+$0x1040 ss:$0x41] =	vst.msk $0xffff, v9;
	v5 =	vld.idx.msk [tilespmem:v0+s17+$0x450 ss:$0x1], $0xffff  }
0x69: {  	s23 =	sadd.s32 $0x4, s23;
	s25 =	sand.u32 $0x380, s21;
	s24 =	sand.u32 $0x3800, s22;
	[tilespmem:s19+$0x1450 ss:$0x41] =	vst.msk $0xffff, v10;
	v6 =	vld.idx.msk [tilespmem:v0+s17+$0x460 ss:$0x1], $0xffff  }
.Ltmp4:
0x6a: {  	_ = 	snop;
	(pc) =	sbr.rel .LBB1_4-.Ltmp4, $1  }
0x6b: {  	_ =	sdelay $0x3  }
.LBB1_6:
0x6c: {  	_ =	sfence.sel $0x180000  }
0x6d: {  	s1 =	simm.s32 $0x1;
	[bflag:$0x0] =	sbarrier.arrive $0xFFFF  }
0x6e: {  	s31 =	simm.s32 $0x2;
	[sflag:s1] =	ssyncpa.u1 $0x1  }
0x6f: {  	[sflag:s31] =	ssyncpa.u1 $0x1  }
0x70: {  	p0 =	sne.s32 s0, $0x0;
	_ =	strace $0x90000047  }
0x71: {  	s0 =	sadd.s32 @!p0 $0x100000, s3;
	[bflag:$0x2] =	sbarrier.arrive $0xFFFF  }
0x72: {  	[sflag:s0] =	ssyncadd.tile.s32 @!p0 $0x1;
	_ =	shalt  }
.Lfunc_end1:
_tile_overlayer_lowered:
.L_overlay_start_2:
0x73: {  	(tag) =	ssettag $0x2  }
0x74: {  	s0 =	rddreg [dreg:$0x0];
	s2 =	stileid.u32  }
0x75: {  	s1 =	rddreg [dreg:$0x1];
	p0 =	sne.s32 s2, $0x0  }
0x76: {  	s3 =	rddreg [dreg:$0x2];
	[bflag:$0x3] =	sbarrier.arrive $0xFFFF;
	s2 =	simm.s32 @!p0 $0x1C01  }
0x77: {  	[timem:s3], [sflag:s2] =	dma.local @!p0 [hbm:s0], s1  }
0x78: {  	s0 =	simm.s32 @!p0 $0x1  }
0x79: {  	_ =	swait.ge @!p0 [sflag:s0], s1  }
0x7a: {  	s1 =	ssub.s32 @!p0 $0x0, s1;
	[sflag:s0] =	ssyncset.done @!p0 $0x0  }
0x7b: {  	[sflag:s0] =	ssyncadd.s32 @!p0 s1  }
0x7c: {  	[bflag:$0x3] =	sbarrier.arrive $0xFFFF  }
0x7d: {  	_ =	shalt  }

// kernel: sparse-core-data-format-call.cloned.1.call-start
scs
called_computation_lowered:
.L_overlay_start_0:
0x0: {  	s2 =	sld [smem:$0x3FD9]  }
0x1: {  	s3 =	sld [smem:$0x3FFE];
	_ =	sdelay $0x1  }
0x2: {  	s1 =	srdreg.scid  }
0x3: {  	s0 =	sand.u32 $0x1, s1  }
0x4: {  	s18 =	sshll.u32 s0, $0xA;
	s2 =	sadd.s32 s3, s2  }
0x5: {  	s2 =	sadd.s32 s2, s18  }
0x6: {  	[smem:$0x3FA1] =	sst s2  }
0x7: {  	_ = 	snop  }
0x8: {  	s2 =	sld [smem:$0x3FD0];
	(tm) =	ssettm $0x1  }
0x9: {  	s19 =	sld [smem:$0x3FFB];
	_ =	sdelay $0x3  }
0xa: {  	_ =	strace s19  }
0xb: {  	s3 =	sld [smem:$0x3FFC];
	_ =	sdelay $0x3  }
0xc: {  	_ =	strace s3  }
0xd: {  	s3 =	sld [smem:$0x3FFD];
	_ =	sdelay $0x3  }
0xe: {  	_ =	strace s3  }
0xf: {  	_ =	strace $0x8FFFFFFF  }
0x10: {  	s20 =	sld [smem:$0x3FDB];
	_ =	sdelay $0x1  }
0x11: {  	s4 =	simm.s32 $_scs_section_size  }
0x12: {  	s5 =	simm.s32 $_size__tile_overlayer_lowered;
	s6 =	simm.s32 $_tile_overlayer_lowered  }
0x13: {  	s23 =	simm.s32 $0x1BFF;
	s22 =	sshll.u32 s6, $0x1;
	s3 =	sadd.s32 s4, s20  }
0x14: {  	s7 =	simm.s32 $0x0;
	s21 =	sshll.u32 s5, $0x1;
	s5 =	sadd.s32 s22, s3  }
0x15: {  	[timem:s7], [sflag:s23] =	dma.local [hbm:s5], s21  }
0x16: {  	_ =	swait.ge [sflag:s23], s21  }
0x17: {  	s4 =	ssub.s32 $0x0, s21;
	[sflag:s23] =	ssyncset.done $0x0  }
0x18: {  	[sflag:s23] =	ssyncadd.s32 s4;
	_ =	sdelay $0x1  }
0x19: {  	s24 =	simm.s32 $0x1B8B  }
0x1a: {  	_ =	swait.ge [sflag:s24], $0x1  }
0x1b: {  	[sflag:s24] =	ssyncset.done $0x0  }
0x1c: {  	s26 =	simm.s32 $0x1B8E;
	s25 =	sld [smem:$0x3FFE];
	[sflag:s24] =	ssyncadd.s32 $0xFFFFFFFF  }
0x1d: {  	s27 =	simm.s32 $execute0_lowered;
	[smem:$0x3FD2] =	sst s26  }
0x1e: {  	s5 =	sshll.u32 s27, $0x1;
	_ =	strace $0x80000049;
	[dreg:$0x1] =	wrdreg $0xFFFFFFFF  }
0x1f: {  	s28 =	simm.s32 $_size_execute0_lowered;
	s3 =	sadd.s32 s3, s5;
	[dreg:$0x0] =	wrdreg $0x0  }
0x20: {  	s5 =	sshll.u32 s28, $0x1;
	[dreg:$0x2] =	wrdreg s3  }
0x21: {  	[dreg:$0x3] =	wrdreg s5  }
0x22: {  	[dreg:$0x4] =	wrdreg $0xC0  }
0x23: {  	_ =	task [dreg:s7], $0x5FFFF  }
0x24: {  	[dreg:$0x1] =	wrdreg $0xFFFFFFFF  }
0x25: {  	[dreg:$0x0] =	wrdreg $0x60  }
0x26: {  	[dreg:$0x2] =	wrdreg s25  }
0x27: {  	[dreg:$0x3] =	wrdreg s2  }
0x28: {  	[dreg:$0x4] =	wrdreg $0x9  }
0x29: {  	_ =	task.clear_ibuf [dreg:s7], $0x5FFFF;
	_ =	strace $0x90000049  }
0x2a: {  	s29 =	simm.s32 $0x9;
	_ =	strace $0x8000004B  }
0x2b: {  	_ =	swait.ge [sflag:s29], $0x1  }
0x2c: {  	[sflag:s29] =	ssyncadd.s32 $0xFFFFFFFF  }
0x2d: {  	_ =	strace $0x9000004B  }
0x2e: {  	_ =	sfence  }
0x2f: {  	s30 =	sld [smem:$0x0];
	_ =	sdelay $0x2  }
0x30: {  	s31 =	sshll.u32 s1, $0xD;
	s1 =	sshrl.u32 s1, $0x2  }
0x31: {  	s3 =	sand.u32 $0x4000, s31;
	s1 =	sadd.s32 s1, s30  }
0x32: {  	s0 =	sor.u32 s3, s0;
	s1 =	sshll.u32 s1, $0x11  }
0x33: {  	s0 =	sor.u32 s1, s0  }
0x34: {  	s0 =	sadd.s32 $0x8F2B, s0  }
0x35: {  	[sflag:s0] =	ssyncadd.remote.s32 $0x1  }
0x36: {  	_ =	sfence.sel $0xFFFF  }
0x37: {  	[dreg:$0x0] =	wrdreg $0xFFFFFFFF;
	(pc) =	sbr.abs _section_cstart, $3  }
0x38: {  	[dreg:$0x1] =	wrdreg $0xFFFFFFFF  }
0x39: {  	_ =	task.clear_ibuf [dreg:s7], $0x2FFFF;
	_ =	strace $0x9FFFFFFF  }
0x3a: {  	(tm) =	ssettm $0x7FFFFFFF  }
0x3b: {  	_ =	shalt  }
tec
execute0_lowered:
.L_overlay_start_1:
0x0: {  	(tag) =	ssettag $0x1  }
0x1: {  	s0 =	srdreg.scid;
	s6 =	rddreg [dreg:$0x0]  }
0x2: {  	s3 =	rddreg [dreg:$0x1];
	s1 =	sshll.u32 s0, $0x4  }
0x3: {  	s5 =	simm.s32 $0x1;
	s0 =	stileid.u32;
	s1 =	sand.u32 $0x10, s1  }
0x4: {  	s31 =	simm.s32 $0x2;
	s16 =	simm.s32 $0x0;
	s1 =	sor.u32 s0, s1  }
0x5: {  	s8 =	simm.s32 $0x8000;
	s18 =	simm.s32 $0x0;
	s2 =	sshll.u32 s1, $0x7  }
0x6: {  	s17 =	simm.s32 $0x0;
	s9 =	simm.s32 $0x0;
	s4 =	ssub.s32 $0x1000, s2  }
0x7: {  	s10 =	simm.s32 $0x0;
	s11 =	simm.s32 $0x0;
	s30 =	sand.u32 $0xF80, s4  }
0x8: {  	s12 =	simm.s32 $0x0;
	s13 =	simm.s32 $0x0;
	p0 =	sne.s32 s30, $0x0  }
.Ltmp0:
0x9: {  	s7 =	sshrl.u32 s4, $0xC;
	s5 =	simm.s32 @!p0 $0x0;
	(pc) =	sbr.rel .LBB1_1-.Ltmp0, $4  }
0xa: {  	s15 =	simm.s32 $0x0;
	s1 =	rddreg [dreg:$0x2];
	s5 =	sadd.s32 s5, s7  }
0xb: {  	_ =	strace $0x8000004A;
	s4 =	simm.s32 $0x1;
	s5 =	smul.u32 $0x96, s5  }
0xc: {  	s6 =	sadd.s32 $0xC84C00, s6;
	s14 =	smov.u32 s2;
	[sflag:s4] =	ssyncpa.u1 $0x0  }
0xd: {  	[sflag:s31] =	ssyncpa.u1 $0x0;
	p0 =	por $0x0, $0x0;
	s7 =	sor.u32 $0x1, s5  }
.LBB1_4:
0xe: {  	s23 =	sshra.s32 s23, $0x2;
	s30 =	sshll.u32 s9, $0xC  }
0xf: {  	p1 =	sgt.s32 s10, $0x31;
	s24 =	smov.u32 s10;
	s25 =	sshra.s32 s10, $0x1F  }
0x10: {  	s26 =	sshll.u32 s11, $0x3;
	s28 =	smov.u32 s11;
	s29 =	sshra.s32 s11, $0x1F  }
0x11: {  	s22 =	sadd.s32 s23, s22;
	s24 =	simm.s32 @!p1 $0x31;
	s25 =	sand.u32 s25, s10  }
0x12: {  	s23 =	sand.u32 $0xFFFF8000, s30;
	s27 =	sand.u32 $0xFFFFFC00, s26;
	p1 =	sgt.s32 s9, $0xB8  }
0x13: {  	s31 =	sand.u32 s29, s11;
	s29 =	sshll.u32 s9, $0x7;
	s30 =	sshra.s32 s9, $0x1F  }
0x14: {  	[tilespmem:s21+$0x2040 ss:$0x81] =	vst.msk $0xffff, v4;
	s24 =	ssub.s32 s24, s25;
	s23 =	sadd.s32 s27, s23;
	s27 =	smov.u32 s9  }
0x15: {  	[tilespmem:s21+$0x2850 ss:$0x81] =	vst.msk $0xffff, v3;
	s29 =	sand.u32 $0x380, s29;
	s25 =	sadd.s32 $0xFFFFFFCF, s24;
	s27 =	simm.s32 @!p1 $0xB8  }
0x16: {  	v5 =	vld [tilespmem:s20+$0xFFFFFFD0];
	[tilespmem:s21+$0x3060 ss:$0x81] =	vst.msk $0xffff, v2;
	p1 =	sgt.s32 s11, $0xF80;
	s23 =	sshrl.u32 s23, $0xC;
	s24 =	ssub.s32 $0x32, s24  }
0x17: {  	v58 =	vld [tilespmem:s20+$0xFFFFFFE0];
	[tilespmem:s21+$0x0 ss:$0x81] =	vst.msk $0xffff, v1;
	s28 =	simm.s32 @!p1 $0xF80;
	p1 =	sgt.s32 s25, $0x0;
	s21 =	smulhi.u32 $0xD20D21, s23  }
0x18: {  	v59 =	vld [tilespmem:s20+$0xFFFFFFF0];
	s25 =	ssub.s32 s28, s31;
	s28 =	sand.u32 s30, s9;
	s24 =	simm.s32 @p1 $0x0  }
0x19: {  	v60 =	vld [tilespmem:s20+$0x0];
	s27 =	ssub.s32 s27, s28;
	s31 =	sadd.s32 $0xFFFFF080, s25;
	s25 =	ssub.s32 $0x1000, s25  }
0x1a: {  	v61 =	vld [tilespmem:s20+$0x10];
	[tilespmem:s22+$0x3870 ss:$0x81] =	vst.msk $0xffff, v0;
	s21 =	smul.u32 $0x138, s21;
	s28 =	sand.u32 $0x7, s11;
	p1 =	sgt.s32 s31, $0x7F  }
0x1b: {  	v62 =	vld [tilespmem:s20+$0x20];
	[tilespmem:s22+$0x810 ss:$0x81] =	vst.msk $0xffff, v5;
	s30 =	sadd.s32 $0xFFFFFF48, s27;
	s31 =	sand.u32 $0x78, s11;
	s25 =	simm.s32 @p1 $0x0  }
0x1c: {  	v63 =	vld [tilespmem:s20+$0xFFFFFFC0];
	[tilespmem:s22+$0x1020 ss:$0x81] =	vst.msk $0xffff, v58;
	p1 =	sgt.s32 s30, $0x7F;
	s30 =	sand.u32 $0xC00, s26;
	s24 =	smul.u32 s25, s24  }
0x1d: {  	[tilespmem:s22+$0x1830 ss:$0x81] =	vst.msk $0xffff, v59;
	s26 =	ssub.s32 $0x138, s27;
	s20 =	sor.u32 s31, s30;
	s31 =	smul.u32 $0x27000, s10  }
0x1e: {  	[tilespmem:s22+$0x2040 ss:$0x81] =	vst.msk $0xffff, v60;
	s21 =	ssub.s32 s23, s21;
	s26 =	simm.s32 @p1 $0x0;
	s20 =	sor.u32 s29, s20  }
0x1f: {  	[tilespmem:s22+$0x2850 ss:$0x81] =	vst.msk $0xffff, v61;
	s26 =	smul.u32 s26, s24;
	s20 =	sshrl.u32 s20, $0x3;
	s27 =	sadd.s32 s3, s31  }
0x20: {  	[tilespmem:s22+$0x3060 ss:$0x81] =	vst.msk $0xffff, v62;
	s21 =	sshll.u32 s21, $0x9;
	s29 =	sshll.u32 s28, $0x12;
	s20 =	sadd.s32 s20, s27  }
0x21: {  	[tilespmem:s22+$0x0 ss:$0x81] =	vst.msk $0xffff, v63;
	s31 =	sor.u32 $0x400, s29;
	s30 =	sand.u32 $0x3FFFFFFF, s26;
	s20 =	sadd.s32 s21, s20  }
0x22: {  	[hbm4b:s20+s31] =	stream.strided.scatter [tilespmem:s19], [sflag:$0x2], s30, s8, s31, $0x20;
	[tilespmem:$0x10100] =	vst v63  }
.LBB1_5:
0x23: {  	p1 =	slt.u32 s15, $0x2  }
0x24: {  	p2 =	sgt.s32 @!p1 s18, $0x31  }
0x25: {  	s19 =	smov.u32 s18;
	s20 =	sshra.s32 @!p1 s18, $0x1F;
	p2 =	por !p2, p1  }
0x26: {  	s18 =	sand.u32 @!p1 s20, s18;
	s19 =	simm.s32 @p2 $0x31  }
0x27: {  	p3 =	sgt.s32 @!p1 s16, $0xB8;
	s18 =	ssub.s32 @!p1 s19, s18  }
0x28: {  	p4 =	sgt.s32 @!p1 s17, $0xF80;
	s21 =	sshra.s32 @!p1 s17, $0x1F;
	s19 =	sadd.s32 @!p1 $0xFFFFFFCF, s18  }
0x29: {  	s20 =	smov.u32 s16;
	p2 =	sgt.s32 @!p1 s19, $0x0;
	s19 =	sshra.s32 @!p1 s16, $0x1F  }
0x2a: {  	p4 =	por !p4, p1;
	s16 =	sand.u32 @!p1 s19, s16;
	s19 =	smov.u32 s17  }
0x2b: {  	p3 =	por !p3, p1;
	s17 =	sand.u32 @!p1 s21, s17;
	s19 =	simm.s32 @p4 $0xF80  }
0x2c: {  	s20 =	simm.s32 @p3 $0xB8;
	s18 =	ssub.s32 @!p1 $0x32, s18;
	s17 =	ssub.s32 @!p1 s19, s17  }
0x2d: {  	p2 =	por !p2, p1;
	s16 =	ssub.s32 @!p1 s20, s16;
	s20 =	sadd.s32 @!p1 $0xFFFFF080, s17  }
0x2e: {  	s18 =	simm.s32 @!p2 $0x0;
	p3 =	sgt.s32 @!p1 s20, $0x7F  }
0x2f: {  	s19 =	sadd.s32 @!p1 $0xFFFFFF48, s16;
	s17 =	ssub.s32 @!p1 $0x1000, s17;
	p3 =	por !p3, p1  }
0x30: {  	p2 =	sgt.s32 @!p1 s19, $0x7F;
	s19 =	sadd.s32 $0x80, s12;
	s17 =	simm.s32 @!p3 $0x0  }
0x31: {  	p3 =	sgt.s32 s19, $0x137;
	s17 =	smul.u32 @!p1 s17, s18;
	s18 =	simm.s32 $0x1  }
0x32: {  	s16 =	ssub.s32 @!p1 $0x138, s16;
	p2 =	por !p2, p1;
	s18 =	simm.s32 @!p3 $0x0  }
0x33: {  	s21 =	smov.u32 s14;
	s16 =	simm.s32 @!p2 $0x0;
	s20 =	sadd.s32 s18, s13  }
0x34: {  	s16 =	smul.u32 @!p1 s16, s17;
	s17 =	sadd.s32 $0x1000, s14;
	p2 =	sgt.s32 s20, $0x31  }
0x35: {  	p0 =	por !p0, !p0;
	s22 =	simm.s32 @!p1 $0x2;
	s21 =	smov.u32 @p2 s17  }
0x36: {  	s19 =	simm.s32 @p3 $0x0;
	s20 =	simm.s32 @p2 $0x0;
	p2 =	sgt.s32 s21, $0xFFF  }
0x37: {  	s18 =	smov.u32 s10;
	s21 =	smov.u32 @p2 s2;
	p2 =	sne.s32 s15, s7  }
.Ltmp1:
0x38: {  	s10 =	smov.u32 s13;
	s16 =	sand.u32 @!p1 $0x3FFFFFFF, s16;
	(pc) =	sbr.rel @!p2 .LBB1_6-.Ltmp1, $4  }
0x39: {  	s17 =	smov.u32 s11;
	s11 =	smov.u32 s14;
	_ =	swait.ge @!p1 [sflag:s22], s16  }
0x3a: {  	s23 =	ssub.s32 @!p1 $0x0, s16;
	s16 =	smov.u32 s9;
	s9 =	smov.u32 s12  }
0x3b: {  	s12 =	smov.u32 s19;
	s13 =	smov.u32 s20;
	[sflag:s22] =	ssyncset.done @!p1 $0x0  }
0x3c: {  	s15 =	sadd.s32 $0x1, s15;
	[sflag:s22] =	ssyncadd.s32 @!p1 s23;
	s14 =	smov.u32 s21  }
.LBB1_1:
0x3d: {  	p1 =	sge.u32 s15, s5  }
0x3e: {  	s19 =	sshrl.u32 @!p1 s13, $0x3  }
0x3f: {  	s20 =	sshll.u32 @!p1 s12, $0x3;
	s19 =	smul.u32 @!p1 $0xC00, s19  }
0x40: {  	s21 =	sshll.u32 @!p1 s13, $0x7;
	s20 =	sand.u32 @!p1 $0xFFFFFC00, s20  }
0x41: {  	s19 =	sadd.s32 @!p1 s19, s20;
	s20 =	sand.u32 @!p1 $0x380, s21  }
0x42: {  	s19 =	sor.u32 @!p1 s20, s19  }
0x43: {  	s20 =	sand.u32 @!p1 $0x7F, s12;
	s21 =	smulhi.u32 @!p1 $0xAAAAAAAB, s19  }
0x44: {  	s19 =	sor.u32 @!p1 s20, s19  }
0x45: {  	s20 =	smulhi.u32 @!p1 $0xAAAAAAAB, s19;
	s21 =	sshrl.u32 @!p1 s21, $0x8  }
0x46: {  	s22 =	smulhi.u32 @!p1 $0x4924925, s21;
	_ =	sdelay $0x1  }
0x47: {  	s20 =	sshrl.u32 @!p1 s20, $0x8;
	s22 =	smul.u32 @!p1 $0x38, s22  }
0x48: {  	s31 =	sadd.s32 $0xFFFFFFFF, s15;
	s20 =	smul.u32 @!p1 $0x180, s20  }
0x49: {  	s23 =	sxor.u32 @!p1 $0xFFFFFFFF, s15;
	s21 =	ssub.s32 @!p1 s21, s22;
	s22 =	smul.u32 @!p1 $0xA80, s14  }
0x4a: {  	s23 =	sshll.u32 @!p1 s23, $0xE;
	s19 =	ssub.s32 @!p1 s19, s20;
	s20 =	smul.u32 @!p1 $0x30, s21  }
0x4b: {  	s21 =	sand.u32 @!p1 $0x4000, s23;
	s23 =	sand.u32 @!p1 $0x7, s19;
	s22 =	sadd.s32 @!p1 s6, s22  }
0x4c: {  	s19 =	sshrl.u32 @!p1 s19, $0x3;
	s20 =	sadd.s32 @!p1 s20, s22;
	s22 =	sshll.u32 @!p1 s23, $0x12  }
0x4d: {  	s19 =	sadd.s32 @!p1 s19, s20;
	s20 =	sor.u32 @!p1 $0x80, s22;
	s22 =	simm.s32 @!p1 $0x5400  }
0x4e: {  	[tilespmem:s21], [sflag:$0x1] =	stream.strided.gather @!p1 [hbm4b:s19+s20], $0x4000, s22, s20, $0x38;
	[tilespmem:$0x10100] =	vst v63  }
0x4f: {  	p1 =	sge.u32 s31, s5  }
.Ltmp2:
0x50: {  	_ = 	snop;
	(pc) =	sbr.rel @p1 .LBB1_5-.Ltmp2, $1  }
0x51: {  	_ =	sdelay $0x3  }
0x52: {  	s19 =	simm.s32 $0x1  }
0x53: {  	_ =	swait.ge [sflag:s4], $0x4000;
	s19 =	simm.s32 @!p0 $0x0  }
0x54: {  	[sflag:s4] =	ssyncset.done $0x0;
	s20 =	sshll.u32 s19, $0xE  }
0x55: {  	[sflag:s4] =	ssyncadd.s32 $0xFFFFC000;
	s20 =	sor.u32 $0x40, s20  }
0x56: {  	s19 =	smul.u32 $0x10200, s19;
	v0 =	vld [tilespmem:s20+$0x30]  }
0x57: {  	v1 =	vld [tilespmem:s20+$0xFFFFFFD0]  }
0x58: {  	s19 =	sshrl.u32 s19, $0x2;
	v5 =	vld [tilespmem:s20+$0xFFFFFFE0]  }
0x59: {  	v6 =	vld [tilespmem:s20+$0xFFFFFFF0];
	s22 =	sor.u32 $0x8000, s19  }
0x5a: {  	s31 =	sand.u32 $0x1, s15;
	v4 =	vld [tilespmem:s20+$0x0];
	s21 =	sadd.s32 $0x0, s22  }
0x5b: {  	v3 =	vld [tilespmem:s20+$0x10];
	s19 =	smul.u32 $0x10200, s31;
	[tilespmem:s21+$0x3870 ss:$0x81] =	vst.msk $0xffff, v0  }
0x5c: {  	v2 =	vld [tilespmem:s20+$0x20];
	[tilespmem:s21+$0x810 ss:$0x81] =	vst.msk $0xffff, v1  }
0x5d: {  	s19 =	sshrl.u32 s19, $0x2;
	v1 =	vld [tilespmem:s20+$0xFFFFFFC0];
	[tilespmem:s21+$0x1020 ss:$0x81] =	vst.msk $0xffff, v5;
	s20 =	sadd.s32 $0x80, s20  }
0x5e: {  	s23 =	simm.s32 $0x4;
	s24 =	simm.s32 $0x8;
	s19 =	sor.u32 $0x8000, s19;
	[tilespmem:s21+$0x1830 ss:$0x81] =	vst.msk $0xffff, v6;
	v0 =	vld [tilespmem:s20+$0x30]  }
.LBB1_3:
0x5f: {  	p1 =	sne.s32 s24, $0x1FC;
	v5 =	vld [tilespmem:s20+$0xFFFFFFD0];
	[tilespmem:s21+$0x2040 ss:$0x81] =	vst.msk $0xffff, v4  }
0x60: {  	v6 =	vld [tilespmem:s20+$0xFFFFFFE0];
	[tilespmem:s21+$0x2850 ss:$0x81] =	vst.msk $0xffff, v3  }
0x61: {  	s25 =	sshra.s32 s23, $0x2;
	s23 =	smov.u32 s24;
	v7 =	vld [tilespmem:s20+$0xFFFFFFF0];
	[tilespmem:s21+$0x3060 ss:$0x81] =	vst.msk $0xffff, v2  }
.Ltmp3:
0x62: {  	v4 =	vld [tilespmem:s20+$0x0];
	[tilespmem:s21+$0x0 ss:$0x81] =	vst.msk $0xffff, v1;
	s21 =	sadd.s32 s25, s22;
	(pc) =	sbr.rel @p1 .LBB1_3-.Ltmp3, $4  }
0x63: {  	v3 =	vld [tilespmem:s20+$0x10];
	[tilespmem:s21+$0x3870 ss:$0x81] =	vst.msk $0xffff, v0  }
0x64: {  	[tilespmem:s21+$0x810 ss:$0x81] =	vst.msk $0xffff, v5;
	v2 =	vld [tilespmem:s20+$0x20]  }
0x65: {  	v1 =	vld [tilespmem:s20+$0xFFFFFFC0];
	[tilespmem:s21+$0x1020 ss:$0x81] =	vst.msk $0xffff, v6;
	s20 =	sadd.s32 $0x80, s20  }
0x66: {  	s24 =	sadd.s32 $0x4, s24;
	v0 =	vld [tilespmem:s20+$0x30];
	[tilespmem:s21+$0x1830 ss:$0x81] =	vst.msk $0xffff, v7  }
.Ltmp4:
0x67: {  	_ = 	snop;
	(pc) =	sbr.rel .LBB1_4-.Ltmp4, $1  }
0x68: {  	_ =	sdelay $0x3  }
.LBB1_6:
0x69: {  	_ =	sfence.sel $0x180000  }
0x6a: {  	s2 =	simm.s32 $0x1;
	[bflag:$0x0] =	sbarrier.arrive $0xFFFF  }
0x6b: {  	s31 =	simm.s32 $0x2;
	[sflag:s2] =	ssyncpa.u1 $0x1  }
0x6c: {  	[sflag:s31] =	ssyncpa.u1 $0x1  }
0x6d: {  	p0 =	sne.s32 s0, $0x0;
	_ =	strace $0x9000004A  }
0x6e: {  	s0 =	sadd.s32 @!p0 $0x100000, s1;
	[bflag:$0x2] =	sbarrier.arrive $0xFFFF  }
0x6f: {  	[sflag:s0] =	ssyncadd.tile.s32 @!p0 $0x1;
	_ =	shalt  }
.Lfunc_end1:
_tile_overlayer_lowered:
.L_overlay_start_2:
0x70: {  	(tag) =	ssettag $0x2  }
0x71: {  	s0 =	rddreg [dreg:$0x0];
	s2 =	stileid.u32  }
0x72: {  	s1 =	rddreg [dreg:$0x1];
	p0 =	sne.s32 s2, $0x0  }
0x73: {  	s3 =	rddreg [dreg:$0x2];
	[bflag:$0x3] =	sbarrier.arrive $0xFFFF;
	s2 =	simm.s32 @!p0 $0x1C01  }
0x74: {  	[timem:s3], [sflag:s2] =	dma.local @!p0 [hbm:s0], s1  }
0x75: {  	s0 =	simm.s32 @!p0 $0x1  }
0x76: {  	_ =	swait.ge @!p0 [sflag:s0], s1  }
0x77: {  	s1 =	ssub.s32 @!p0 $0x0, s1;
	[sflag:s0] =	ssyncset.done @!p0 $0x0  }
0x78: {  	[sflag:s0] =	ssyncadd.s32 @!p0 s1  }
0x79: {  	[bflag:$0x3] =	sbarrier.arrive $0xFFFF  }
0x7a: {  	_ =	shalt  }

</sc_bundles>
